<compile_context>
chip_gen: v7x
topology: tpu7x:2x2x1
jax: 0.10.2.dev20260603
libtpu: 0.0.44.dev20260713+nightly
codegen_flags: <defaults>
</compile_context>

<pallas_src>
import jax
import jax.numpy as jnp
from jax import lax
from jax.experimental import pallas as pl
from jax.experimental.pallas import tpu as pltpu
from jax.experimental.pallas import tpu_sc as plsc

_B = 16384
_NB = 1024
_E = 64
_EP = 128
_SEQ = 50
_NC = 2
_NS = 16
_L = 16
_NW = _NC * _NS
_BH = _B // 2
_BPW = _BH // _NW
_PB = 2048
_IC = 128
_BB = 512


def _sc_body(x_hbm, bins_hbm, table_hbm, rows_hbm,
             x_v, bins_v, idx_v, rows_v, gsem):
    wid = lax.axis_index("s") * _NC + lax.axis_index("c")
    base = wid * _BPW
    pltpu.sync_copy(x_hbm.at[pl.ds(_B - _BH + base, _BPW)], x_v)
    pltpu.sync_copy(bins_hbm, bins_v)

    def search_chunk(i, carry):
        xv = x_v[pl.ds(i * _L, _L)]
        pos = jnp.zeros((_L,), jnp.int32)
        for bit in (1024, 512, 256, 128, 64, 32, 16, 8, 4, 2, 1):
            cand = pos + bit
            b = plsc.load_gather(bins_v, [cand - 1])
            pos = jnp.where(b < xv, cand, pos)
        idx_v[i // 8, pl.ds((i % 8) * _L, _L)] = pos
        return carry

    lax.fori_loop(0, _BPW // _L, search_chunk, 0)

    for c in range(_BPW // _IC):
        pltpu.async_copy(table_hbm.at[idx_v.at[c]],
                         rows_v.at[pl.ds(c * _IC, _IC)], gsem)
    for c in range(_BPW // _IC):
        pltpu.make_async_copy(table_hbm.at[idx_v.at[c]],
                              rows_v.at[pl.ds(c * _IC, _IC)], gsem).wait()

    pltpu.sync_copy(rows_v, rows_hbm.at[pl.ds(base, _BPW)])


def _tc_a_body(x_ref, bins_ref, tabt_ref, out_ref):
    xb = x_ref[0, 0, :].reshape(1, _BB)
    bins_col = bins_ref[:, :]
    c = (xb > bins_col).astype(jnp.int32)
    idx = jnp.sum(c, axis=0, keepdims=True)
    j = lax.broadcasted_iota(jnp.int32, (_NB, _BB), 0)
    onehot_t = (j == idx).astype(jnp.float32)
    relu_t = jnp.maximum(tabt_ref[:, :], 0.0)
    rows_t = jnp.dot(relu_t, onehot_t, preferred_element_type=jnp.float32)
    out_ref[:, :, :] = jnp.broadcast_to(rows_t[None], (_SEQ, _E, _BB))


def _tc_b_body(rows_ref, buf_ref, out_ref):
    del buf_ref
    r = rows_ref[:, : _E]
    rt = jnp.maximum(jnp.transpose(r, (1, 0)), 0.0)
    out_ref[:, :, :] = jnp.broadcast_to(rt[None], (_SEQ, _E, _BB))


def kernel(x, table, bins, input_length):
    del input_length
    bins_p = jnp.concatenate(
        [bins, jnp.full((_PB - (_NB - 1),), jnp.inf, dtype=jnp.float32)])
    table_p = jnp.pad(table, ((0, 0), (0, _EP - _E)))
    mesh = plsc.VectorSubcoreMesh(core_axis_name="c", subcore_axis_name="s")
    rows_b = pl.kernel(
        _sc_body,
        mesh=mesh,
        compiler_params=pltpu.CompilerParams(
            needs_layout_passes=False, use_tc_tiling_on_sc=True),
        out_type=jax.ShapeDtypeStruct((_BH, _EP), jnp.float32),
        scratch_types=[
            pltpu.VMEM((_BPW,), jnp.float32),
            pltpu.VMEM((_PB,), jnp.float32),
            pltpu.VMEM((_BPW // _IC, _IC), jnp.int32),
            pltpu.VMEM((_BPW, _EP), jnp.float32),
            pltpu.SemaphoreType.DMA,
        ],
    )(x, bins_p, table_p)

    ga = (_B - _BH) // _BB
    gb = _BH // _BB
    x3a = x.reshape(_B // _BB, 1, _BB)
    bins_c = jnp.concatenate(
        [bins, jnp.full((1,), jnp.inf, dtype=bins.dtype)]
    ).reshape(_NB, 1)
    tab_t = table.T

    buf = pl.pallas_call(
        _tc_a_body,
        grid=(ga,),
        in_specs=[
            pl.BlockSpec((1, 1, _BB), lambda i: (i, 0, 0)),
            pl.BlockSpec((_NB, 1), lambda i: (0, 0)),
            pl.BlockSpec((_E, _NB), lambda i: (0, 0)),
        ],
        out_specs=pl.BlockSpec((_SEQ, _E, _BB), lambda i: (0, 0, i)),
        out_shape=jax.ShapeDtypeStruct((_SEQ, _E, _B), jnp.float32),
    )(x3a, bins_c, tab_t)

    out = pl.pallas_call(
        _tc_b_body,
        grid=(gb,),
        in_specs=[
            pl.BlockSpec((_BB, _EP), lambda i: (i, 0)),
            pl.BlockSpec(memory_space=pl.ANY),
        ],
        out_specs=pl.BlockSpec((_SEQ, _E, _BB), lambda i: (0, 0, i + ga)),
        out_shape=jax.ShapeDtypeStruct((_SEQ, _E, _B), jnp.float32),
        input_output_aliases={1: 0},
    )(rows_b, buf)
    return jnp.transpose(out, (2, 0, 1))

# --- scband reference (transcript-rebuilt; emitter-appended) ---
"""Pipeline reference for scband-prior-embedding-81810537054599 (READ-ONLY COPY).

The authoritative reference and input builder live on the scoring server;
editing this copy changes nothing except your own understanding.
"""

import jax, jax.numpy as jnp
import numpy as np

BATCH = 16384
NBINS = 1024
EMBED = 64
SEQ = 50

def setup_inputs(seed: int = 0) -> dict:
    key = jax.random.key(seed)
    k1, k2 = jax.random.split(key)
    x = jax.random.uniform(k1, (BATCH,), dtype=jnp.float32)  # values within [stats.min, stats.max]
    # learned embedding table (nn.Embedding(nbins, embedding_dim))
    table = jax.random.normal(k2, (NBINS, EMBED), dtype=jnp.float32) * 0.02
    # non-trainable buffer: torch.linspace(stats['min'], stats['max'], nbins - 1)
    bins = jnp.linspace(0.0, 1.0, NBINS - 1, dtype=jnp.float32)
    return {"x": x, "table": table, "bins": bins, "input_length": SEQ}

def reference(x, table, bins, input_length):
    # torch.bucketize(x, boundaries) == searchsorted(boundaries, x, side='left')
    idx = jnp.searchsorted(bins, x)
    out = jax.nn.relu(jnp.take(table, idx, axis=0))  # [B, E]
    out = out.reshape(-1, 1, table.shape[1])          # [B, 1, E]
    # .expand(-1, input_length, -1)
    length_zero = (jnp.asarray(input_length) * 0).astype(out.dtype)
    out = out + length_zero
    return jnp.broadcast_to(out, (out.shape[0], SEQ, table.shape[1]))

if __name__ == "__main__":
    import jax
    _d = setup_inputs()
    print(jax.jit(kernel)(*tuple(_d.values())))

</pallas_src>

<mosaic_0001>
#map = affine_map<(d0, d1) -> (0)>
#map1 = affine_map<(d0, d1) -> (0, 0)>
module attributes {stable_mosaic.version = 14 : i64} {
  func.func @_sc_body(%arg0: i32, %arg1: i32, %arg2: memref<16384xf32, #tpu.memory_space<hbm>>, %arg3: memref<2048xf32, #tpu.memory_space<hbm>>, %arg4: memref<1024x128xf32, #tpu.memory_space<hbm>>, %arg5: memref<8192x128xf32, #tpu.memory_space<hbm>>, %arg6: memref<256xf32, #tpu.memory_space<vmem>>, %arg7: memref<2048xf32, #tpu.memory_space<vmem>>, %arg8: memref<2x128xi32, #tpu.memory_space<vmem>>, %arg9: memref<256x128xf32, #tpu.memory_space<vmem>>, %arg10: memref<!tpu.dma_semaphore, #tpu.memory_space<semaphore_mem>>) attributes {dimension_semantics = [#tpu.dimension_semantics<core_parallel>, #tpu.dimension_semantics<subcore_parallel>], iteration_bounds = array<i64: 2, 16>, scalar_prefetch = 0 : i64, scratch_operands = 5 : i64, tpu.core_type = #tpu.core_type<sc_vector_subcore>, window_params = [{transform_indices = #map}, {transform_indices = #map}, {transform_indices = #map1}, {transform_indices = #map1}]} {
    %mul3A = arith.constant 2 : i32
    %mul3A_0 = arith.muli %arg1, %mul3A : i32
    %add3A = arith.addi %mul3A_0, %arg0 : i32
    %mul3A_1 = arith.constant 256 : i32
    %mul3A_2 = arith.muli %add3A, %mul3A_1 : i32
    %add3A_3 = arith.constant 8192 : i32
    %add3A_4 = arith.addi %add3A_3, %mul3A_2 : i32
    "tpu.region"() ({
      %run_scoped3A = tpu.sem_alloc : memref<!tpu.dma_semaphore, #tpu.memory_space<semaphore_mem>>
      %dma_start3A_48 = tpu.memref_slice %arg2[%add3A_4] : memref<16384xf32, #tpu.memory_space<hbm>> -> memref<256xf32, #tpu.memory_space<hbm>>
      %dma_start3A_49 = tpu.memref_slice %arg2[%add3A_4] : memref<16384xf32, #tpu.memory_space<hbm>> -> memref<256xf32, #tpu.memory_space<hbm>>
      tpu.enqueue_dma source(%dma_start3A_49 : memref<256xf32, #tpu.memory_space<hbm>>) target(%arg6 : memref<256xf32, #tpu.memory_space<vmem>>) target_semaphore(%run_scoped3A : memref<!tpu.dma_semaphore, #tpu.memory_space<semaphore_mem>>)
      %dma_wait3A_50 = tpu.memref_slice %arg2[%add3A_4] : memref<16384xf32, #tpu.memory_space<hbm>> -> memref<256xf32, #tpu.memory_space<hbm>>
      %dma_wait3A_51 = tpu.memref_slice %arg2[%add3A_4] : memref<16384xf32, #tpu.memory_space<hbm>> -> memref<256xf32, #tpu.memory_space<hbm>>
      tpu.wait_dma2 semaphore(%run_scoped3A : memref<!tpu.dma_semaphore, #tpu.memory_space<semaphore_mem>>) src(%dma_wait3A_51 : memref<256xf32, #tpu.memory_space<hbm>>) dst(%arg6 : memref<256xf32, #tpu.memory_space<vmem>>)
      tpu.yield
    }) : () -> ()
    "tpu.region"() ({
      %run_scoped3A = tpu.sem_alloc : memref<!tpu.dma_semaphore, #tpu.memory_space<semaphore_mem>>
      tpu.enqueue_dma source(%arg3 : memref<2048xf32, #tpu.memory_space<hbm>>) target(%arg7 : memref<2048xf32, #tpu.memory_space<vmem>>) target_semaphore(%run_scoped3A : memref<!tpu.dma_semaphore, #tpu.memory_space<semaphore_mem>>)
      tpu.wait_dma2 semaphore(%run_scoped3A : memref<!tpu.dma_semaphore, #tpu.memory_space<semaphore_mem>>) src(%arg3 : memref<2048xf32, #tpu.memory_space<hbm>>) dst(%arg7 : memref<2048xf32, #tpu.memory_space<vmem>>)
      tpu.yield
    }) : () -> ()
    %scan3A = arith.constant 0 : i32
    %scan3A_5 = arith.constant 0 : i32
    %scan3A_6 = arith.constant 16 : i32
    %scan3A_7 = arith.addi %scan3A_5, %scan3A_6 : i32
    %scan3A_8 = arith.constant 1 : i32
    scf.for %scan3A_48 = %scan3A_5 to %scan3A_7 step %scan3A_8  : i32 {
      %mul3A_49 = arith.constant 16 : i32
      %mul3A_50 = arith.muli %scan3A_48, %mul3A_49 : i32
      %get3A = arith.index_cast %mul3A_50 : i32 to index
      %get3A_51 = tpu.vector_load %arg6[%get3A] {strides = array<i32>} : memref<256xf32, #tpu.memory_space<vmem>>, vector<16xf32>,
      %broadcast_in_dim3A = arith.constant 0 : i32
      %broadcast_in_dim3A_52 = vector.broadcast %broadcast_in_dim3A : i32 to vector<16xi32>
      %add3A_53 = arith.constant 1024 : i32
      %add3A_54 = vector.broadcast %add3A_53 : i32 to vector<16xi32>
      %add3A_55 = arith.addi %broadcast_in_dim3A_52, %add3A_54 : vector<16xi32>
      %sub3A = arith.constant 1 : i32
      %sub3A_56 = vector.broadcast %sub3A : i32 to vector<16xi32>
      %sub3A_57 = arith.subi %add3A_55, %sub3A_56 : vector<16xi32>
      %gather3A = tpu.vector_load_idx %arg7[%sub3A_57] : memref<2048xf32, #tpu.memory_space<vmem>>[vector<16xi32>], vector<16xf32>,
      %lt3A = arith.cmpf olt, %gather3A, %get3A_51 : vector<16xf32>
      %select_n3A = arith.select %lt3A, %add3A_55, %broadcast_in_dim3A_52 : vector<16xi1>, vector<16xi32>
      %add3A_58 = arith.constant 512 : i32
      %add3A_59 = vector.broadcast %add3A_58 : i32 to vector<16xi32>
      %add3A_60 = arith.addi %select_n3A, %add3A_59 : vector<16xi32>
      %sub3A_61 = arith.constant 1 : i32
      %sub3A_62 = vector.broadcast %sub3A_61 : i32 to vector<16xi32>
      %sub3A_63 = arith.subi %add3A_60, %sub3A_62 : vector<16xi32>
      %gather3A_64 = tpu.vector_load_idx %arg7[%sub3A_63] : memref<2048xf32, #tpu.memory_space<vmem>>[vector<16xi32>], vector<16xf32>,
      %lt3A_65 = arith.cmpf olt, %gather3A_64, %get3A_51 : vector<16xf32>
      %select_n3A_66 = arith.select %lt3A_65, %add3A_60, %select_n3A : vector<16xi1>, vector<16xi32>
      %add3A_67 = arith.constant 256 : i32
      %add3A_68 = vector.broadcast %add3A_67 : i32 to vector<16xi32>
      %add3A_69 = arith.addi %select_n3A_66, %add3A_68 : vector<16xi32>
      %sub3A_70 = arith.constant 1 : i32
      %sub3A_71 = vector.broadcast %sub3A_70 : i32 to vector<16xi32>
      %sub3A_72 = arith.subi %add3A_69, %sub3A_71 : vector<16xi32>
      %gather3A_73 = tpu.vector_load_idx %arg7[%sub3A_72] : memref<2048xf32, #tpu.memory_space<vmem>>[vector<16xi32>], vector<16xf32>,
      %lt3A_74 = arith.cmpf olt, %gather3A_73, %get3A_51 : vector<16xf32>
      %select_n3A_75 = arith.select %lt3A_74, %add3A_69, %select_n3A_66 : vector<16xi1>, vector<16xi32>
      %add3A_76 = arith.constant 128 : i32
      %add3A_77 = vector.broadcast %add3A_76 : i32 to vector<16xi32>
      %add3A_78 = arith.addi %select_n3A_75, %add3A_77 : vector<16xi32>
      %sub3A_79 = arith.constant 1 : i32
      %sub3A_80 = vector.broadcast %sub3A_79 : i32 to vector<16xi32>
      %sub3A_81 = arith.subi %add3A_78, %sub3A_80 : vector<16xi32>
      %gather3A_82 = tpu.vector_load_idx %arg7[%sub3A_81] : memref<2048xf32, #tpu.memory_space<vmem>>[vector<16xi32>], vector<16xf32>,
      %lt3A_83 = arith.cmpf olt, %gather3A_82, %get3A_51 : vector<16xf32>
      %select_n3A_84 = arith.select %lt3A_83, %add3A_78, %select_n3A_75 : vector<16xi1>, vector<16xi32>
      %add3A_85 = arith.constant 64 : i32
      %add3A_86 = vector.broadcast %add3A_85 : i32 to vector<16xi32>
      %add3A_87 = arith.addi %select_n3A_84, %add3A_86 : vector<16xi32>
      %sub3A_88 = arith.constant 1 : i32
      %sub3A_89 = vector.broadcast %sub3A_88 : i32 to vector<16xi32>
      %sub3A_90 = arith.subi %add3A_87, %sub3A_89 : vector<16xi32>
      %gather3A_91 = tpu.vector_load_idx %arg7[%sub3A_90] : memref<2048xf32, #tpu.memory_space<vmem>>[vector<16xi32>], vector<16xf32>,
      %lt3A_92 = arith.cmpf olt, %gather3A_91, %get3A_51 : vector<16xf32>
      %select_n3A_93 = arith.select %lt3A_92, %add3A_87, %select_n3A_84 : vector<16xi1>, vector<16xi32>
      %add3A_94 = arith.constant 32 : i32
      %add3A_95 = vector.broadcast %add3A_94 : i32 to vector<16xi32>
      %add3A_96 = arith.addi %select_n3A_93, %add3A_95 : vector<16xi32>
      %sub3A_97 = arith.constant 1 : i32
      %sub3A_98 = vector.broadcast %sub3A_97 : i32 to vector<16xi32>
      %sub3A_99 = arith.subi %add3A_96, %sub3A_98 : vector<16xi32>
      %gather3A_100 = tpu.vector_load_idx %arg7[%sub3A_99] : memref<2048xf32, #tpu.memory_space<vmem>>[vector<16xi32>], vector<16xf32>,
      %lt3A_101 = arith.cmpf olt, %gather3A_100, %get3A_51 : vector<16xf32>
      %select_n3A_102 = arith.select %lt3A_101, %add3A_96, %select_n3A_93 : vector<16xi1>, vector<16xi32>
      %add3A_103 = arith.constant 16 : i32
      %add3A_104 = vector.broadcast %add3A_103 : i32 to vector<16xi32>
      %add3A_105 = arith.addi %select_n3A_102, %add3A_104 : vector<16xi32>
      %sub3A_106 = arith.constant 1 : i32
      %sub3A_107 = vector.broadcast %sub3A_106 : i32 to vector<16xi32>
      %sub3A_108 = arith.subi %add3A_105, %sub3A_107 : vector<16xi32>
      %gather3A_109 = tpu.vector_load_idx %arg7[%sub3A_108] : memref<2048xf32, #tpu.memory_space<vmem>>[vector<16xi32>], vector<16xf32>,
      %lt3A_110 = arith.cmpf olt, %gather3A_109, %get3A_51 : vector<16xf32>
      %select_n3A_111 = arith.select %lt3A_110, %add3A_105, %select_n3A_102 : vector<16xi1>, vector<16xi32>
      %add3A_112 = arith.constant 8 : i32
      %add3A_113 = vector.broadcast %add3A_112 : i32 to vector<16xi32>
      %add3A_114 = arith.addi %select_n3A_111, %add3A_113 : vector<16xi32>
      %sub3A_115 = arith.constant 1 : i32
      %sub3A_116 = vector.broadcast %sub3A_115 : i32 to vector<16xi32>
      %sub3A_117 = arith.subi %add3A_114, %sub3A_116 : vector<16xi32>
      %gather3A_118 = tpu.vector_load_idx %arg7[%sub3A_117] : memref<2048xf32, #tpu.memory_space<vmem>>[vector<16xi32>], vector<16xf32>,
      %lt3A_119 = arith.cmpf olt, %gather3A_118, %get3A_51 : vector<16xf32>
      %select_n3A_120 = arith.select %lt3A_119, %add3A_114, %select_n3A_111 : vector<16xi1>, vector<16xi32>
      %add3A_121 = arith.constant 4 : i32
      %add3A_122 = vector.broadcast %add3A_121 : i32 to vector<16xi32>
      %add3A_123 = arith.addi %select_n3A_120, %add3A_122 : vector<16xi32>
      %sub3A_124 = arith.constant 1 : i32
      %sub3A_125 = vector.broadcast %sub3A_124 : i32 to vector<16xi32>
      %sub3A_126 = arith.subi %add3A_123, %sub3A_125 : vector<16xi32>
      %gather3A_127 = tpu.vector_load_idx %arg7[%sub3A_126] : memref<2048xf32, #tpu.memory_space<vmem>>[vector<16xi32>], vector<16xf32>,
      %lt3A_128 = arith.cmpf olt, %gather3A_127, %get3A_51 : vector<16xf32>
      %select_n3A_129 = arith.select %lt3A_128, %add3A_123, %select_n3A_120 : vector<16xi1>, vector<16xi32>
      %add3A_130 = arith.constant 2 : i32
      %add3A_131 = vector.broadcast %add3A_130 : i32 to vector<16xi32>
      %add3A_132 = arith.addi %select_n3A_129, %add3A_131 : vector<16xi32>
      %sub3A_133 = arith.constant 1 : i32
      %sub3A_134 = vector.broadcast %sub3A_133 : i32 to vector<16xi32>
      %sub3A_135 = arith.subi %add3A_132, %sub3A_134 : vector<16xi32>
      %gather3A_136 = tpu.vector_load_idx %arg7[%sub3A_135] : memref<2048xf32, #tpu.memory_space<vmem>>[vector<16xi32>], vector<16xf32>,
      %lt3A_137 = arith.cmpf olt, %gather3A_136, %get3A_51 : vector<16xf32>
      %select_n3A_138 = arith.select %lt3A_137, %add3A_132, %select_n3A_129 : vector<16xi1>, vector<16xi32>
      %add3A_139 = arith.constant 1 : i32
      %add3A_140 = vector.broadcast %add3A_139 : i32 to vector<16xi32>
      %add3A_141 = arith.addi %select_n3A_138, %add3A_140 : vector<16xi32>
      %sub3A_142 = arith.constant 1 : i32
      %sub3A_143 = vector.broadcast %sub3A_142 : i32 to vector<16xi32>
      %sub3A_144 = arith.subi %add3A_141, %sub3A_143 : vector<16xi32>
      %gather3A_145 = tpu.vector_load_idx %arg7[%sub3A_144] : memref<2048xf32, #tpu.memory_space<vmem>>[vector<16xi32>], vector<16xf32>,
      %lt3A_146 = arith.cmpf olt, %gather3A_145, %get3A_51 : vector<16xf32>
      %select_n3A_147 = arith.select %lt3A_146, %add3A_141, %select_n3A_138 : vector<16xi1>, vector<16xi32>
      %jit3A = arith.constant 8 : i32
      %div3A = arith.divsi %scan3A_48, %jit3A : i32
      %sign3A = arith.constant 0 : i32
      %sign3A_148 = arith.cmpi sgt, %scan3A_48, %sign3A : i32
      %sign3A_149 = arith.extui %sign3A_148 : i1 to i32
      %sign3A_150 = arith.constant 0 : i32
      %sign3A_151 = arith.cmpi slt, %scan3A_48, %sign3A_150 : i32
      %sign3A_152 = arith.extui %sign3A_151 : i1 to i32
      %sign3A_153 = arith.subi %sign3A_149, %sign3A_152 : i32
      %sign3A_154 = arith.constant 0 : i32
      %sign3A_155 = arith.cmpi sgt, %jit3A, %sign3A_154 : i32
      %sign3A_156 = arith.extui %sign3A_155 : i1 to i32
      %sign3A_157 = arith.constant 0 : i32
      %sign3A_158 = arith.cmpi slt, %jit3A, %sign3A_157 : i32
      %sign3A_159 = arith.extui %sign3A_158 : i1 to i32
      %sign3A_160 = arith.subi %sign3A_156, %sign3A_159 : i32
      %ne3A = arith.cmpi ne, %sign3A_153, %sign3A_160 : i32
      %rem3A = arith.remsi %scan3A_48, %jit3A : i32
      %ne3A_161 = arith.constant 0 : i32
      %ne3A_162 = arith.cmpi ne, %rem3A, %ne3A_161 : i32
      %and3A = arith.andi %ne3A, %ne3A_162 : i1
      %sub3A_163 = arith.constant 1 : i32
      %sub3A_164 = arith.subi %div3A, %sub3A_163 : i32
      %select_n3A_165 = arith.select %and3A, %sub3A_164, %div3A : i32
      %jit3A_166 = arith.constant 8 : i32
      %eq3A = arith.constant 0 : i32
      %eq3A_167 = arith.cmpi eq, %jit3A_166, %eq3A : i32
      %jit3A_168 = arith.constant 1 : i32
      %select_n3A_169 = arith.select %eq3A_167, %jit3A_168, %jit3A_166 : i32
      %rem3A_170 = arith.remsi %scan3A_48, %select_n3A_169 : i32
      %ne3A_171 = arith.constant 0 : i32
      %ne3A_172 = arith.cmpi ne, %rem3A_170, %ne3A_171 : i32
      %lt3A_173 = arith.constant 0 : i32
      %lt3A_174 = arith.cmpi slt, %rem3A_170, %lt3A_173 : i32
      %lt3A_175 = arith.constant 0 : i32
      %lt3A_176 = arith.cmpi slt, %select_n3A_169, %lt3A_175 : i32
      %ne3A_177 = arith.xori %lt3A_174, %lt3A_176 : i1
      %and3A_178 = arith.andi %ne3A_177, %ne3A_172 : i1
      %add3A_179 = arith.addi %rem3A_170, %select_n3A_169 : i32
      %select_n3A_180 = arith.select %and3A_178, %add3A_179, %rem3A_170 : i32
      %mul3A_181 = arith.constant 16 : i32
      %mul3A_182 = arith.muli %select_n3A_180, %mul3A_181 : i32
      %swap3A = arith.index_cast %select_n3A_165 : i32 to index
      %swap3A_183 = arith.index_cast %mul3A_182 : i32 to index
      %swap3A_184 = tpu.vector_load %arg8[%swap3A, %swap3A_183] {strides = array<i32>} : memref<2x128xi32, #tpu.memory_space<vmem>>, vector<16xi32>,
      tpu.vector_store %arg8[%swap3A, %swap3A_183], %select_n3A_147 {strides = array<i32>} : memref<2x128xi32, #tpu.memory_space<vmem>>, vector<16xi32>,
    }
    %scan3A_9 = arith.constant 16 : i32
    %dma_start3A = arith.constant 0 : i32
    %dma_start3A_10 = arith.constant 0 : i32
    %dma_start3A_11 = arith.constant 0 : i32
    %dma_start3A_12 = tpu.memref_slice %arg9[%dma_start3A_10, %dma_start3A_11] : memref<256x128xf32, #tpu.memory_space<vmem>> -> memref<128x128xf32, #tpu.memory_space<vmem>>
    %dma_start3A_13 = arith.constant 0 : i32
    %dma_start3A_14 = tpu.memref_slice %arg8[%dma_start3A, %dma_start3A_13] : memref<2x128xi32, #tpu.memory_space<vmem>> -> memref<1x128xi32, #tpu.memory_space<vmem>>
    %dma_start3A_15 = tpu.memref_squeeze %dma_start3A_14 : memref<1x128xi32, #tpu.memory_space<vmem>> -> memref<128xi32, #tpu.memory_space<vmem>>
    %dma_start3A_16 = arith.constant 0 : i32
    %dma_start3A_17 = arith.constant 0 : i32
    %dma_start3A_18 = tpu.memref_slice %arg4[%dma_start3A_16, %dma_start3A_17] : memref<1024x128xf32, #tpu.memory_space<hbm>> -> memref<1024x128xf32, #tpu.memory_space<hbm>>
    tpu.enqueue_indirect_dma source(%dma_start3A_18 : memref<1024x128xf32, #tpu.memory_space<hbm>>) target(%dma_start3A_12 : memref<128x128xf32, #tpu.memory_space<vmem>>) offsets(%dma_start3A_15 : memref<128xi32, #tpu.memory_space<vmem>>) semaphore(%arg10 : memref<!tpu.dma_semaphore, #tpu.memory_space<semaphore_mem>>)
    %dma_start3A_19 = arith.constant 1 : i32
    %dma_start3A_20 = arith.constant 128 : i32
    %dma_start3A_21 = arith.constant 0 : i32
    %dma_start3A_22 = tpu.memref_slice %arg9[%dma_start3A_20, %dma_start3A_21] : memref<256x128xf32, #tpu.memory_space<vmem>> -> memref<128x128xf32, #tpu.memory_space<vmem>>
    %dma_start3A_23 = arith.constant 0 : i32
    %dma_start3A_24 = tpu.memref_slice %arg8[%dma_start3A_19, %dma_start3A_23] : memref<2x128xi32, #tpu.memory_space<vmem>> -> memref<1x128xi32, #tpu.memory_space<vmem>>
    %dma_start3A_25 = tpu.memref_squeeze %dma_start3A_24 : memref<1x128xi32, #tpu.memory_space<vmem>> -> memref<128xi32, #tpu.memory_space<vmem>>
    %dma_start3A_26 = arith.constant 0 : i32
    %dma_start3A_27 = arith.constant 0 : i32
    %dma_start3A_28 = tpu.memref_slice %arg4[%dma_start3A_26, %dma_start3A_27] : memref<1024x128xf32, #tpu.memory_space<hbm>> -> memref<1024x128xf32, #tpu.memory_space<hbm>>
    tpu.enqueue_indirect_dma source(%dma_start3A_28 : memref<1024x128xf32, #tpu.memory_space<hbm>>) target(%dma_start3A_22 : memref<128x128xf32, #tpu.memory_space<vmem>>) offsets(%dma_start3A_25 : memref<128xi32, #tpu.memory_space<vmem>>) semaphore(%arg10 : memref<!tpu.dma_semaphore, #tpu.memory_space<semaphore_mem>>)
    %dma_wait3A = arith.constant 0 : i32
    %dma_wait3A_29 = arith.constant 0 : i32
    %dma_wait3A_30 = arith.constant 0 : i32
    %dma_wait3A_31 = tpu.memref_slice %arg9[%dma_wait3A_29, %dma_wait3A_30] : memref<256x128xf32, #tpu.memory_space<vmem>> -> memref<128x128xf32, #tpu.memory_space<vmem>>
    %dma_wait3A_32 = arith.constant 0 : i32
    %dma_wait3A_33 = tpu.memref_slice %arg8[%dma_wait3A, %dma_wait3A_32] : memref<2x128xi32, #tpu.memory_space<vmem>> -> memref<1x128xi32, #tpu.memory_space<vmem>>
    %dma_wait3A_34 = tpu.memref_squeeze %dma_wait3A_33 : memref<1x128xi32, #tpu.memory_space<vmem>> -> memref<128xi32, #tpu.memory_space<vmem>>
    %dma_wait3A_35 = arith.constant 0 : i32
    %dma_wait3A_36 = arith.constant 0 : i32
    %dma_wait3A_37 = tpu.memref_slice %arg4[%dma_wait3A_35, %dma_wait3A_36] : memref<1024x128xf32, #tpu.memory_space<hbm>> -> memref<1024x128xf32, #tpu.memory_space<hbm>>
    tpu.wait_indirect_dma semaphore(%arg10 : memref<!tpu.dma_semaphore, #tpu.memory_space<semaphore_mem>>) src(%dma_wait3A_37 : memref<1024x128xf32, #tpu.memory_space<hbm>>) dst(%dma_wait3A_31 : memref<128x128xf32, #tpu.memory_space<vmem>>)
    %dma_wait3A_38 = arith.constant 1 : i32
    %dma_wait3A_39 = arith.constant 128 : i32
    %dma_wait3A_40 = arith.constant 0 : i32
    %dma_wait3A_41 = tpu.memref_slice %arg9[%dma_wait3A_39, %dma_wait3A_40] : memref<256x128xf32, #tpu.memory_space<vmem>> -> memref<128x128xf32, #tpu.memory_space<vmem>>
    %dma_wait3A_42 = arith.constant 0 : i32
    %dma_wait3A_43 = tpu.memref_slice %arg8[%dma_wait3A_38, %dma_wait3A_42] : memref<2x128xi32, #tpu.memory_space<vmem>> -> memref<1x128xi32, #tpu.memory_space<vmem>>
    %dma_wait3A_44 = tpu.memref_squeeze %dma_wait3A_43 : memref<1x128xi32, #tpu.memory_space<vmem>> -> memref<128xi32, #tpu.memory_space<vmem>>
    %dma_wait3A_45 = arith.constant 0 : i32
    %dma_wait3A_46 = arith.constant 0 : i32
    %dma_wait3A_47 = tpu.memref_slice %arg4[%dma_wait3A_45, %dma_wait3A_46] : memref<1024x128xf32, #tpu.memory_space<hbm>> -> memref<1024x128xf32, #tpu.memory_space<hbm>>
    tpu.wait_indirect_dma semaphore(%arg10 : memref<!tpu.dma_semaphore, #tpu.memory_space<semaphore_mem>>) src(%dma_wait3A_47 : memref<1024x128xf32, #tpu.memory_space<hbm>>) dst(%dma_wait3A_41 : memref<128x128xf32, #tpu.memory_space<vmem>>)
    "tpu.region"() ({
      %run_scoped3A = tpu.sem_alloc : memref<!tpu.dma_semaphore, #tpu.memory_space<semaphore_mem>>
      %dma_start3A_48 = arith.constant 0 : i32
      %dma_start3A_49 = tpu.memref_slice %arg5[%mul3A_2, %dma_start3A_48] : memref<8192x128xf32, #tpu.memory_space<hbm>> -> memref<256x128xf32, #tpu.memory_space<hbm>>
      %dma_start3A_50 = arith.constant 0 : i32
      %dma_start3A_51 = tpu.memref_slice %arg5[%mul3A_2, %dma_start3A_50] : memref<8192x128xf32, #tpu.memory_space<hbm>> -> memref<256x128xf32, #tpu.memory_space<hbm>>
      tpu.enqueue_dma source(%arg9 : memref<256x128xf32, #tpu.memory_space<vmem>>) target(%dma_start3A_51 : memref<256x128xf32, #tpu.memory_space<hbm>>) target_semaphore(%run_scoped3A : memref<!tpu.dma_semaphore, #tpu.memory_space<semaphore_mem>>)
      %dma_wait3A_52 = arith.constant 0 : i32
      %dma_wait3A_53 = tpu.memref_slice %arg5[%mul3A_2, %dma_wait3A_52] : memref<8192x128xf32, #tpu.memory_space<hbm>> -> memref<256x128xf32, #tpu.memory_space<hbm>>
      %dma_wait3A_54 = arith.constant 0 : i32
      %dma_wait3A_55 = tpu.memref_slice %arg5[%mul3A_2, %dma_wait3A_54] : memref<8192x128xf32, #tpu.memory_space<hbm>> -> memref<256x128xf32, #tpu.memory_space<hbm>>
      tpu.wait_dma2 semaphore(%run_scoped3A : memref<!tpu.dma_semaphore, #tpu.memory_space<semaphore_mem>>) src(%arg9 : memref<256x128xf32, #tpu.memory_space<vmem>>) dst(%dma_wait3A_55 : memref<256x128xf32, #tpu.memory_space<hbm>>)
      tpu.yield
    }) : () -> ()
    return
  }
}

module attributes {stable_mosaic.version = 14 : i64} {
  func.func @_tc_a_body(%arg0: i32, %arg1: memref<1x1x512xf32, #tpu.memory_space<vmem>>, %arg2: memref<1024x1xf32, #tpu.memory_space<vmem>>, %arg3: memref<64x1024xf32, #tpu.memory_space<vmem>>, %arg4: memref<50x64x512xf32, #tpu.memory_space<vmem>>) attributes {dimension_semantics = [#tpu.dimension_semantics<arbitrary>], iteration_bounds = array<i64: 16>, scalar_prefetch = 0 : i64, scratch_operands = 0 : i64, tpu.core_type = #tpu.core_type<tc>, window_params = [{transform_indices = @transform_0, window_bounds = array<i64: 1, 1, 512>}, {pipeline_mode = #tpu.pipeline_mode<synchronous>, transform_indices = @transform_1, window_bounds = array<i64: 1024, 1>}, {pipeline_mode = #tpu.pipeline_mode<synchronous>, transform_indices = @transform_2, window_bounds = array<i64: 64, 1024>}, {transform_indices = @transform_3, window_bounds = array<i64: 50, 64, 512>}]} {
    %get3A = arith.constant 0 : index
    %get3A_0 = arith.constant 0 : index
    %get3A_1 = arith.constant 0 : index
    %get3A_2 = vector.load %arg1[%get3A, %get3A_0, %get3A_1] : memref<1x1x512xf32, #tpu.memory_space<vmem>>, vector<1x1x512xf32>
    %get3A_3 = vector.shape_cast %get3A_2 : vector<1x1x512xf32> to vector<512xf32>
    %reshape3A = vector.shape_cast %get3A_3 : vector<512xf32> to vector<1x512xf32>
    %get3A_4 = arith.constant 0 : index
    %get3A_5 = arith.constant 0 : index
    %get3A_6 = vector.load %arg2[%get3A_4, %get3A_5] : memref<1024x1xf32, #tpu.memory_space<vmem>>, vector<1024x1xf32>
    %gt3A = vector.broadcast %reshape3A : vector<1x512xf32> to vector<1024x512xf32>
    %gt3A_7 = vector.broadcast %get3A_6 : vector<1024x1xf32> to vector<1024x512xf32>
    %gt3A_8 = arith.cmpf ogt, %gt3A, %gt3A_7 : vector<1024x512xf32>
    %convert_element_type3A = arith.extui %gt3A_8 : vector<1024x512xi1> to vector<1024x512xi32>
    %reduce_sum3A = arith.constant dense<0> : vector<512xi32>
    %reduce_sum3A_9 = vector.multi_reduction <add>, %convert_element_type3A, %reduce_sum3A [0] : vector<1024x512xi32> to vector<512xi32>
    %broadcast_in_dim3A = vector.shape_cast %reduce_sum3A_9 : vector<512xi32> to vector<1x512xi32>
    %iota3A = tpu.iota {dimensions = array<i32: 0>} : vector<1024x512xi32>
    %eq3A = vector.broadcast %broadcast_in_dim3A : vector<1x512xi32> to vector<1024x512xi32>
    %eq3A_10 = arith.cmpi eq, %iota3A, %eq3A : vector<1024x512xi32>
    %convert_element_type3A_11 = arith.extui %eq3A_10 : vector<1024x512xi1> to vector<1024x512xi32>
    %convert_element_type3A_12 = arith.sitofp %convert_element_type3A_11 : vector<1024x512xi32> to vector<1024x512xf32>
    %get3A_13 = arith.constant 0 : index
    %get3A_14 = arith.constant 0 : index
    %get3A_15 = vector.load %arg3[%get3A_13, %get3A_14] : memref<64x1024xf32, #tpu.memory_space<vmem>>, vector<64x1024xf32>
    %max3A = arith.constant 0.000000e+00 : f32
    %max3A_16 = vector.broadcast %max3A : f32 to vector<64x1024xf32>
    %max3A_17 = arith.maximumf %get3A_15, %max3A_16 : vector<64x1024xf32>
    %dot_general3A = arith.constant dense<0.000000e+00> : vector<64x512xf32>
    %dot_general3A_18 = tpu.matmul %max3A_17, %convert_element_type3A_12, %dot_general3A {dimension_numbers = #tpu.dot_dimension_numbers<[1], [0], [0], [1], [0, 0, 1, 1], [], []>, transpose_lhs_hint = false} : vector<64x1024xf32>, vector<1024x512xf32>, vector<64x512xf32> -> vector<64x512xf32>
    %broadcast_in_dim3A_19 = vector.shape_cast %dot_general3A_18 : vector<64x512xf32> to vector<1x64x512xf32>
    %broadcast_in_dim3A_20 = vector.shape_cast %broadcast_in_dim3A_19 : vector<1x64x512xf32> to vector<1x64x512xf32>
    %broadcast_in_dim3A_21 = vector.broadcast %broadcast_in_dim3A_20 : vector<1x64x512xf32> to vector<50x64x512xf32>
    %swap3A = arith.constant 0 : index
    %swap3A_22 = arith.constant 0 : index
    %swap3A_23 = arith.constant 0 : index
    %swap3A_24 = vector.load %arg4[%swap3A, %swap3A_22, %swap3A_23] : memref<50x64x512xf32, #tpu.memory_space<vmem>>, vector<50x64x512xf32>
    tpu.vector_store %arg4[%swap3A, %swap3A_22, %swap3A_23], %broadcast_in_dim3A_21 {strides = array<i32>} : memref<50x64x512xf32, #tpu.memory_space<vmem>>, vector<50x64x512xf32>,
    return
  }
  func.func @transform_0(%arg0: i32) -> (i32, i32, i32) {
    %c0_i32 = arith.constant 0 : i32
    %c0_i32_0 = arith.constant 0 : i32
    %c0_i32_1 = arith.constant 0 : i32
    return %arg0, %c0_i32, %c0_i32_0 : i32, i32, i32
  }
  func.func @transform_1(%arg0: i32) -> (i32, i32) {
    %c0_i32 = arith.constant 0 : i32
    %c0_i32_0 = arith.constant 0 : i32
    %c0_i32_1 = arith.constant 0 : i32
    return %c0_i32, %c0_i32_0 : i32, i32
  }
  func.func @transform_2(%arg0: i32) -> (i32, i32) {
    %c0_i32 = arith.constant 0 : i32
    %c0_i32_0 = arith.constant 0 : i32
    %c0_i32_1 = arith.constant 0 : i32
    return %c0_i32, %c0_i32_0 : i32, i32
  }
  func.func @transform_3(%arg0: i32) -> (i32, i32, i32) {
    %c0_i32 = arith.constant 0 : i32
    %c0_i32_0 = arith.constant 0 : i32
    %c0_i32_1 = arith.constant 0 : i32
    return %c0_i32, %c0_i32_0, %arg0 : i32, i32, i32
  }
}

module attributes {stable_mosaic.version = 14 : i64} {
  func.func @_tc_b_body(%arg0: i32, %arg1: memref<512x128xf32, #tpu.memory_space<vmem>>, %arg2: memref<50x64x16384xf32, #tpu.memory_space<any>>, %arg3: memref<50x64x512xf32, #tpu.memory_space<vmem>>) attributes {dimension_semantics = [#tpu.dimension_semantics<arbitrary>], iteration_bounds = array<i64: 16>, scalar_prefetch = 0 : i64, scratch_operands = 0 : i64, tpu.core_type = #tpu.core_type<tc>, window_params = [{transform_indices = @transform_0, window_bounds = array<i64: 512, 128>}, {}, {transform_indices = @transform_2, window_bounds = array<i64: 50, 64, 512>}]} {
    %get3A = arith.constant 0 : index
    %get3A_0 = arith.constant 0 : index
    %get3A_1 = vector.load %arg1[%get3A, %get3A_0] : memref<512x128xf32, #tpu.memory_space<vmem>>, vector<512x64xf32>
    %transpose3A = tpu.transpose %get3A_1, [1, 0] : vector<512x64xf32> -> vector<64x512xf32>
    %max3A = arith.constant 0.000000e+00 : f32
    %max3A_2 = vector.broadcast %max3A : f32 to vector<64x512xf32>
    %max3A_3 = arith.maximumf %transpose3A, %max3A_2 : vector<64x512xf32>
    %broadcast_in_dim3A = vector.shape_cast %max3A_3 : vector<64x512xf32> to vector<1x64x512xf32>
    %broadcast_in_dim3A_4 = vector.shape_cast %broadcast_in_dim3A : vector<1x64x512xf32> to vector<1x64x512xf32>
    %broadcast_in_dim3A_5 = vector.broadcast %broadcast_in_dim3A_4 : vector<1x64x512xf32> to vector<50x64x512xf32>
    %swap3A = arith.constant 0 : index
    %swap3A_6 = arith.constant 0 : index
    %swap3A_7 = arith.constant 0 : index
    %swap3A_8 = vector.load %arg3[%swap3A, %swap3A_6, %swap3A_7] : memref<50x64x512xf32, #tpu.memory_space<vmem>>, vector<50x64x512xf32>
    tpu.vector_store %arg3[%swap3A, %swap3A_6, %swap3A_7], %broadcast_in_dim3A_5 {strides = array<i32>} : memref<50x64x512xf32, #tpu.memory_space<vmem>>, vector<50x64x512xf32>,
    return
  }
  func.func @transform_0(%arg0: i32) -> (i32, i32) {
    %c0_i32 = arith.constant 0 : i32
    %c0_i32_0 = arith.constant 0 : i32
    return %arg0, %c0_i32 : i32, i32
  }
  func.func @transform_2(%arg0: i32) -> (i32, i32, i32) {
    %add3A = arith.constant 16 : i32
    %add3A_0 = arith.addi %arg0, %add3A : i32
    %c0_i32 = arith.constant 0 : i32
    %c0_i32_1 = arith.constant 0 : i32
    %c0_i32_2 = arith.constant 0 : i32
    return %c0_i32, %c0_i32_1, %add3A_0 : i32, i32, i32
  }
}

</mosaic_0001>

<sc_bundles>
// kernel: kernel.5.cloned.1.call-start
scs
__scs_entry_jumppad:
0x0: {  	(pc) =	sbr.rel $0x88, $3  }
0x1: {  	(tag) =	ssettag $0x0;
	lr =	simm.s32 $0x1  }
0x2: {  	[smem:$0x3F9E] =	sst lr;
	_ =	strace $0xD0000000  }
0x3: {  	_ = 	snop  }
0x4: {  	_ = 	snop  }
0x5: {  	_ = 	snop  }
0x6: {  	_ = 	snop  }
0x7: {  	_ = 	snop  }
__scs_overlays_trampoline_lowered:
0x8: {  	[smem:$0x3FAD] =	sst s0  }
0x9: {  	[smem:$0x3FAE] =	sst s1  }
0xa: {  	[smem:$0x3FAF] =	sst s2  }
0xb: {  	[smem:$0x3FB0] =	sst s3  }
0xc: {  	[smem:$0x3FB1] =	sst s4  }
0xd: {  	[smem:$0x3FB2] =	sst s5  }
0xe: {  	[smem:$0x3FB3] =	sst s6  }
0xf: {  	[smem:$0x3FB4] =	sst s7  }
0x10: {  	[smem:$0x3FB5] =	sst s8  }
0x11: {  	[smem:$0x3FB6] =	sst s9;
	s0 =	simm.s32 @!p0 $0x0  }
0x12: {  	s1 =	sld [smem:$0x3F9C];
	s0 =	simm.s32 @p0 $0x1  }
0x13: {  	[smem:$0x3FB7] =	sst s0;
	s0 =	simm.s32 @!p1 $0x0  }
0x14: {  	s2 =	sld [smem:$0x3F9B];
	s0 =	simm.s32 @p1 $0x1  }
0x15: {  	[smem:$0x3FB8] =	sst s0;
	s0 =	simm.s32 @!p2 $0x0  }
0x16: {  	s3 =	sld [smem:$0x3FDB];
	s0 =	simm.s32 @p2 $0x1  }
0x17: {  	s4 =	simm.s32 $0x1BF5;
	[smem:$0x3FBA] =	sst s0  }
0x18: {  	s0 =	sld [smem:$0x3F9D];
	_ =	swait.ge [sflag:s4], $0x0  }
0x19: {  	s7 =	sld [smem:$0x3F9E]  }
0x1a: {  	s8 =	sadd.s32 $0xFFFFE003, lr  }
0x1b: {  	s9 =	sadd.s32 $0xFFFFFEF7, lr;
	s5 =	simm.s32 $0xFFFFFFFF;
	p2 =	slt.u32 s8, $0xFFFFF086  }
0x1c: {  	p1 =	slt.u32 s9, $0xF7A;
	s5 =	simm.s32 @!p2 $0x0  }
0x1d: {  	s5 =	simm.s32 @p1 $0x1;
	p0 =	seq.s32 s7, s2  }
0x1e: {  	s7 =	smul.u32 @!p0 $0xF7A, s2;
	p2 =	seq.s32 @!p0 s5, $0x0  }
0x1f: {  	s9 =	smul.u32 $0xF7A, s1;
	s8 =	simm.s32 @!p0 $0x1BF5;
	p2 =	por !p2, p0  }
0x20: {  	[sflag:s8] =	ssyncset.s32 @!p0 $0xFFFFF086;
	s6 =	sadd.s32 @!p0 s3, s7;
	s7 =	simm.s32 @!p0 $0x108  }
0x21: {  	s3 =	sadd.s32 s3, s9;
	s6 =	sadd.s32 @!p0 $0x88, s6;
	s7 =	simm.s32 @p2 $0x1082  }
0x22: {  	[simem:s7], [sflag:s8] =	dma.local @!p0 [hbm:s6], $0xF7A  }
0x23: {  	s9 =	sor.u32 $0xD0000000, s2;
	s6 =	simm.s32 $0x108;
	_ =	swait.ge @!p0 [sflag:s8], $0x0  }
0x24: {  	s3 =	sadd.s32 $0x88, s3;
	s6 =	simm.s32 @!p1 $0x1082;
	[sflag:s4] =	ssyncset.s32 $0xFFFFF086  }
0x25: {  	[simem:s6], [sflag:s4] =	dma.local [hbm:s3], $0xF7A  }
0x26: {  	[smem:$0x3F9E] =	sst s1;
	(tag) =	ssettag s2;
	_ =	strace s9  }
0x27: {  	s1 =	sld [smem:$0x3FAE]  }
0x28: {  	s2 =	sld [smem:$0x3FAF]  }
0x29: {  	s4 =	sld [smem:$0x3FB1]  }
0x2a: {  	p0 =	seq.s32 s5, $0x0;
	s5 =	sld [smem:$0x3FB2]  }
0x2b: {  	s6 =	sld [smem:$0x3FB3]  }
0x2c: {  	s7 =	sld [smem:$0x3FB4]  }
0x2d: {  	s3 =	simm.s32 $0x108;
	s8 =	sld [smem:$0x3FB5]  }
0x2e: {  	s3 =	simm.s32 @!p0 $0x1082;
	s9 =	sld [smem:$0x3FB6]  }
0x2f: {  	lr =	sadd.s32 s0, s3;
	s0 =	sld [smem:$0x3FAD]  }
0x30: {  	s3 =	sld [smem:$0x3FB0]  }
0x31: {  	[smem:$0x3FB9] =	sst s10  }
0x32: {  	s10 =	sld [smem:$0x3FB7];
	_ =	sdelay $0x3  }
0x33: {  	p0 =	seq.s32 s10, $0x1;
	s10 =	sld [smem:$0x3FB9];
	_ =	sdelay $0x3  }
0x34: {  	[smem:$0x3FB9] =	sst s10  }
0x35: {  	s10 =	sld [smem:$0x3FB8];
	_ =	sdelay $0x3  }
0x36: {  	p1 =	seq.s32 s10, $0x1;
	s10 =	sld [smem:$0x3FB9];
	_ =	sdelay $0x3  }
0x37: {  	[smem:$0x3FB9] =	sst s10  }
0x38: {  	s10 =	sld [smem:$0x3FBA]  }
0x39: {  	_ = 	snop;
	(pc) =	sbr.ind lr, $3  }
0x3a: {  	_ = 	snop  }
0x3b: {  	_ = 	snop  }
0x3c: {  	p2 =	seq.s32 s10, $0x1;
	s10 =	sld [smem:$0x3FB9]  }
0x3d: {  	_ =	shalt  }
0x3e: {  	_ =	shalt  }
0x3f: {  	_ =	shalt  }
0x40: {  	_ =	shalt  }
0x41: {  	_ =	shalt  }
0x42: {  	_ =	shalt  }
0x43: {  	_ =	shalt  }
0x44: {  	_ =	shalt  }
0x45: {  	_ =	shalt  }
0x46: {  	_ =	shalt  }
0x47: {  	_ =	shalt  }
0x48: {  	_ =	shalt  }
0x49: {  	_ =	shalt  }
0x4a: {  	_ =	shalt  }
0x4b: {  	_ =	shalt  }
0x4c: {  	_ =	shalt  }
0x4d: {  	_ =	shalt  }
0x4e: {  	_ =	shalt  }
0x4f: {  	_ =	shalt  }
0x50: {  	_ =	shalt  }
0x51: {  	_ =	shalt  }
0x52: {  	_ =	shalt  }
0x53: {  	_ =	shalt  }
0x54: {  	_ =	shalt  }
0x55: {  	_ =	shalt  }
0x56: {  	_ =	shalt  }
0x57: {  	_ =	shalt  }
0x58: {  	_ =	shalt  }
0x59: {  	_ =	shalt  }
0x5a: {  	_ =	shalt  }
0x5b: {  	_ =	shalt  }
0x5c: {  	_ =	shalt  }
0x5d: {  	_ =	shalt  }
0x5e: {  	_ =	shalt  }
0x5f: {  	_ =	shalt  }
0x60: {  	_ =	shalt  }
0x61: {  	_ =	shalt  }
0x62: {  	_ =	shalt  }
0x63: {  	_ =	shalt  }
0x64: {  	_ =	shalt  }
0x65: {  	_ =	shalt  }
0x66: {  	_ =	shalt  }
0x67: {  	_ =	shalt  }
0x68: {  	_ =	shalt  }
0x69: {  	_ =	shalt  }
0x6a: {  	_ =	shalt  }
0x6b: {  	_ =	shalt  }
0x6c: {  	_ =	shalt  }
0x6d: {  	_ =	shalt  }
0x6e: {  	_ =	shalt  }
0x6f: {  	_ =	shalt  }
0x70: {  	_ =	shalt  }
0x71: {  	_ =	shalt  }
0x72: {  	_ =	shalt  }
0x73: {  	_ =	shalt  }
0x74: {  	_ =	shalt  }
0x75: {  	_ =	shalt  }
0x76: {  	_ =	shalt  }
0x77: {  	_ =	shalt  }
0x78: {  	_ =	shalt  }
0x79: {  	_ =	shalt  }
0x7a: {  	_ =	shalt  }
0x7b: {  	_ =	shalt  }
0x7c: {  	_ =	shalt  }
0x7d: {  	_ =	shalt  }
0x7e: {  	_ =	shalt  }
0x7f: {  	_ =	shalt  }
0x80: {  	_ =	shalt  }
0x81: {  	_ =	shalt  }
0x82: {  	_ =	shalt  }
0x83: {  	_ =	shalt  }
0x84: {  	_ =	shalt  }
0x85: {  	_ =	shalt  }
0x86: {  	_ =	shalt  }
0x87: {  	_ =	shalt  }
.Lfunc_end0:
.L_simem_size_0:
called_computation_lowered:
.L_overlay_start_0:
0x88: {  	s2 =	sld [smem:$0x3FD9]  }
0x89: {  	s3 =	sld [smem:$0x3FFE];
	_ =	sdelay $0x1  }
0x8a: {  	s1 =	srdreg.scid  }
0x8b: {  	s0 =	sand.u32 $0x1, s1  }
0x8c: {  	s17 =	sshll.u32 s0, $0xA;
	s2 =	sadd.s32 s3, s2  }
0x8d: {  	s2 =	sadd.s32 s2, s17  }
0x8e: {  	[smem:$0x3FC5] =	sst s2  }
0x8f: {  	_ = 	snop  }
0x90: {  	s2 =	sld [smem:$0x3FC9];
	(tm) =	ssettm $0x1  }
0x91: {  	s18 =	sld [smem:$0x3FFB];
	_ =	sdelay $0x3  }
0x92: {  	_ =	strace s18  }
0x93: {  	s3 =	sld [smem:$0x3FFC];
	_ =	sdelay $0x3  }
0x94: {  	_ =	strace s3  }
0x95: {  	s3 =	sld [smem:$0x3FFD];
	_ =	sdelay $0x3  }
0x96: {  	_ =	strace s3  }
0x97: {  	_ =	strace $0x8FFFFFFF  }
0x98: {  	s19 =	sld [smem:$0x3FDB];
	_ =	sdelay $0x1  }
0x99: {  	s4 =	simm.s32 $_scs_section_size  }
0x9a: {  	s5 =	simm.s32 $_size__tile_overlayer_lowered;
	s6 =	simm.s32 $_tile_overlayer_lowered  }
0x9b: {  	s22 =	simm.s32 $0x1BFF;
	s21 =	sshll.u32 s6, $0x1;
	s3 =	sadd.s32 s4, s19  }
0x9c: {  	s7 =	simm.s32 $0x0;
	s20 =	sshll.u32 s5, $0x1;
	s5 =	sadd.s32 s21, s3  }
0x9d: {  	[timem:s7], [sflag:s22] =	dma.local [hbm:s5], s20  }
0x9e: {  	_ =	swait.ge [sflag:s22], s20  }
0x9f: {  	s4 =	ssub.s32 $0x0, s20;
	[sflag:s22] =	ssyncset.done $0x0  }
0xa0: {  	[sflag:s22] =	ssyncadd.s32 s4;
	_ =	sdelay $0x1  }
0xa1: {  	s23 =	simm.s32 $0x1B8B  }
0xa2: {  	_ =	swait.ge [sflag:s23], $0x1  }
0xa3: {  	[sflag:s23] =	ssyncset.done $0x0  }
0xa4: {  	s25 =	simm.s32 $0x1B8E;
	s24 =	sld [smem:$0x3FFE];
	[sflag:s23] =	ssyncadd.s32 $0xFFFFFFFF  }
0xa5: {  	s26 =	simm.s32 $execute0_lowered;
	[smem:$0x3FD2] =	sst s25  }
0xa6: {  	s5 =	sshll.u32 s26, $0x1;
	_ =	strace $0x80000046;
	[dreg:$0x1] =	wrdreg $0xFFFFFFFF  }
0xa7: {  	s28 =	simm.s32 $_size_execute0_lowered;
	s3 =	sadd.s32 s3, s5;
	[dreg:$0x0] =	wrdreg $0x0  }
0xa8: {  	s5 =	sshll.u32 s28, $0x1;
	[dreg:$0x2] =	wrdreg s3  }
0xa9: {  	[dreg:$0x3] =	wrdreg s5  }
0xaa: {  	[dreg:$0x4] =	wrdreg $0xC0  }
0xab: {  	_ =	task [dreg:s7], $0x5FFFF  }
0xac: {  	[dreg:$0x1] =	wrdreg $0xFFFFFFFF  }
0xad: {  	[dreg:$0x0] =	wrdreg $0x60  }
0xae: {  	[dreg:$0x2] =	wrdreg s2  }
0xaf: {  	[dreg:$0x3] =	wrdreg s24  }
0xb0: {  	[dreg:$0x4] =	wrdreg $0x9  }
0xb1: {  	_ =	task.clear_ibuf [dreg:s7], $0x5FFFF;
	_ =	strace $0x90000046  }
0xb2: {  	s29 =	simm.s32 $0x9;
	_ =	strace $0x80000048  }
0xb3: {  	_ =	swait.ge [sflag:s29], $0x1  }
0xb4: {  	[sflag:s29] =	ssyncadd.s32 $0xFFFFFFFF  }
0xb5: {  	_ =	strace $0x90000048  }
0xb6: {  	_ =	sfence  }
0xb7: {  	s30 =	sld [smem:$0x0];
	_ =	sdelay $0x2  }
0xb8: {  	s31 =	sshll.u32 s1, $0xD;
	s1 =	sshrl.u32 s1, $0x2  }
0xb9: {  	s3 =	sand.u32 $0x4000, s31;
	s1 =	sadd.s32 s1, s30  }
0xba: {  	s0 =	sor.u32 s3, s0;
	s1 =	sshll.u32 s1, $0x11  }
0xbb: {  	s0 =	sor.u32 s1, s0  }
0xbc: {  	s0 =	sadd.s32 $0x8F2B, s0  }
0xbd: {  	[sflag:s0] =	ssyncadd.remote.s32 $0x1  }
0xbe: {  	_ =	sfence.sel $0xFFFF  }
0xbf: {  	[dreg:$0x0] =	wrdreg $0xFFFFFFFF;
	(pc) =	sbr.abs _section_cstart, $3  }
0xc0: {  	[dreg:$0x1] =	wrdreg $0xFFFFFFFF  }
0xc1: {  	_ =	task.clear_ibuf [dreg:s7], $0x2FFFF;
	_ =	strace $0x9FFFFFFF  }
0xc2: {  	(tm) =	ssettm $0x7FFFFFFF  }
0xc3: {  	_ =	shalt  }
tec
execute0_lowered:
.L_overlay_start_1:
0x0: {  	(tag) =	ssettag $0x1  }
0x1: {  	s5 =	rddreg [dreg:$0x0]  }
0x2: {  	s6 =	rddreg [dreg:$0x1]  }
0x3: {  	s0 =	rddreg [dreg:$0x2]  }
0x4: {  	s2 =	simm.s32 $0x0;
	s3 =	srdreg.scid;
	s1 =	stileid.u32  }
0x5: {  	s11 =	simm.s32 $0x900;
	s12 =	simm.s32 $0xA00;
	s13 =	simm.s32 $0x980  }
0x6: {  	s14 =	simm.s32 $0x4A00;
	s15 =	simm.s32 $0x1;
	s16 =	simm.s32 $0x0  }
0x7: {  	[smem:$0x7FF] =	sst s2;
	s7 =	sand.u32 $0x1, s3;
	s3 =	sadd.s32 $0xA00, s6  }
0x8: {  	s8 =	sshll.u32 s1, $0x9;
	s4 =	sadd.s32 $0xC00, s6;
	s9 =	sshll.u32 s7, $0x8  }
0x9: {  	v0 =	vimm.s32 $0x3FF;
	_ =	strace $0x80000047;
	s7 =	ssub.s32 $0x2, s7;
	s8 =	sor.u32 s9, s8  }
0xa: {  	s10 =	sshrl.u32 s7, $0x1;
	s9 =	sshll.u32 s8, $0x4;
	s8 =	sshrl.u32 s8, $0x3  }
0xb: {  	s7 =	ssub.s32 s7, s10;
	s10 =	simm.s32 $0x80;
	s6 =	sadd.s32 s9, s6  }
0xc: {  	s5 =	sadd.s32 s8, s5;
	s7 =	smax.u32 s7, $0x1;
	s8 =	simm.s32 $0x2  }
0xd: {  	v1 =	vimm.s32 $0x0;
	s9 =	simm.s32 $0x100;
	s5 =	sadd.s32 $0x400, s5;
	s6 =	sadd.s32 $0x4C00, s6  }
.LBB2_1:
0xe: {  	[tilespmem:s2], [sflag:$0x2] =	stream.linear.gather [hbm4b:s5+s2], $0x100, $0x38;
	[tilespmem:$0x8A00] =	vst v63  }
0xf: {  	_ =	swait.ge [sflag:s8], $0x100  }
0x10: {  	[sflag:s8] =	ssyncset.done $0x0  }
0x11: {  	[sflag:s8] =	ssyncadd.s32 $0xFFFFFF00  }
0x12: {  	[tilespmem:s9], [sflag:$0x2] =	stream.linear.gather [hbm4b:s3+s2], $0x800, $0x38;
	[tilespmem:$0x8A00] =	vst v63  }
0x13: {  	_ =	swait.ge [sflag:s8], $0x800  }
0x14: {  	[sflag:s8] =	ssyncset.done $0x0  }
0x15: {  	s17 =	simm.s32 $0x0;
	s18 =	simm.s32 $0x0;
	[sflag:s8] =	ssyncadd.s32 $0xFFFFF800  }
.LBB2_2:
0x16: {  	s19 =	sshra.s32 s17, $0x2;
	v3 =	vld.idx.msk [tilespmem:v0+s9+$0x0], $0xffff  }
0x17: {  	v2 =	vld [tilespmem:s19+$0x0];
	_ =	sdelay $0x4  }
0x18: {  	vm0 =	vlt.f32 v3, v2  }
0x19: {  	v3 =	vsel vm0, $0x400, v1  }
0x1a: {  	v4 =	vor.u32 $0x1FF, v3;
	_ =	sdelay $0x4  }
0x1b: {  	v4 =	vld.idx.msk [tilespmem:v4+s9+$0x0], $0xffff;
	_ =	sdelay $0x4  }
0x1c: {  	v5 =	vor.u32 $0x200, v3;
	vm6 =	vlt.f32 v4, v2  }
0x1d: {  	v3 =	vsel vm6, v5, v3  }
0x1e: {  	v55 =	vor.u32 $0xFF, v3;
	_ =	sdelay $0x4  }
0x1f: {  	v4 =	vld.idx.msk [tilespmem:v55+s9+$0x0], $0xffff;
	_ =	sdelay $0x4  }
0x20: {  	v5 =	vor.u32 $0x100, v3;
	vm7 =	vlt.f32 v4, v2  }
0x21: {  	v3 =	vsel vm7, v5, v3  }
0x22: {  	v56 =	vor.u32 $0x7F, v3;
	_ =	sdelay $0x4  }
0x23: {  	v4 =	vld.idx.msk [tilespmem:v56+s9+$0x0], $0xffff;
	_ =	sdelay $0x4  }
0x24: {  	v5 =	vor.u32 $0x80, v3;
	vm8 =	vlt.f32 v4, v2  }
0x25: {  	v3 =	vsel vm8, v5, v3  }
0x26: {  	v57 =	vadd.s32 $0x3F, v3;
	_ =	sdelay $0x4  }
0x27: {  	v4 =	vld.idx.msk [tilespmem:v57+s9+$0x0], $0xffff;
	_ =	sdelay $0x4  }
0x28: {  	v5 =	vadd.s32 $0x40, v3;
	vm9 =	vlt.f32 v4, v2  }
0x29: {  	v3 =	vsel vm9, v5, v3  }
0x2a: {  	v58 =	vadd.s32 $0x1F, v3;
	_ =	sdelay $0x4  }
0x2b: {  	v4 =	vld.idx.msk [tilespmem:v58+s9+$0x0], $0xffff;
	_ =	sdelay $0x4  }
0x2c: {  	v5 =	vadd.s32 $0x20, v3;
	vm10 =	vlt.f32 v4, v2  }
0x2d: {  	v3 =	vsel vm10, v5, v3  }
0x2e: {  	v59 =	vadd.s32 $0xF, v3;
	_ =	sdelay $0x4  }
0x2f: {  	v4 =	vld.idx.msk [tilespmem:v59+s9+$0x0], $0xffff;
	_ =	sdelay $0x4  }
0x30: {  	v5 =	vadd.s32 $0x10, v3;
	vm11 =	vlt.f32 v4, v2  }
0x31: {  	v3 =	vsel vm11, v5, v3  }
0x32: {  	v60 =	vadd.s32 $0x7, v3;
	_ =	sdelay $0x4  }
0x33: {  	v4 =	vld.idx.msk [tilespmem:v60+s9+$0x0], $0xffff;
	_ =	sdelay $0x4  }
0x34: {  	v5 =	vadd.s32 $0x8, v3;
	vm12 =	vlt.f32 v4, v2  }
0x35: {  	v3 =	vsel vm12, v5, v3  }
0x36: {  	v61 =	vadd.s32 $0x3, v3;
	_ =	sdelay $0x4  }
0x37: {  	v4 =	vld.idx.msk [tilespmem:v61+s9+$0x0], $0xffff;
	_ =	sdelay $0x4  }
0x38: {  	v5 =	vadd.s32 $0x4, v3;
	vm13 =	vlt.f32 v4, v2  }
0x39: {  	v3 =	vsel vm13, v5, v3  }
0x3a: {  	v62 =	vadd.s32 $0x1, v3;
	_ =	sdelay $0x4  }
0x3b: {  	v4 =	vld.idx.msk [tilespmem:v62+s9+$0x0], $0xffff;
	_ =	sdelay $0x4  }
0x3c: {  	v5 =	vadd.s32 $0x2, v3;
	vm14 =	vlt.f32 v4, v2  }
0x3d: {  	v3 =	vsel vm14, v5, v3;
	_ =	sdelay $0x4  }
0x3e: {  	v63 =	vld.idx.msk [tilespmem:v3+s9+$0x0], $0xffff;
	_ =	sdelay $0x2  }
0x3f: {  	p0 =	sne.s32 s18, $0xF0  }
.Ltmp0:
0x40: {  	_ = 	snop;
	(pc) =	sbr.rel @p0 .LBB2_2-.Ltmp0, $4  }
0x41: {  	s31 =	sand.u32 $0x200, s17;
	vm15 =	vlt.f32 v63, v2  }
0x42: {  	s20 =	sand.u32 $0x70, s18;
	s19 =	sshrl.u32 s31, $0x2;
	v2 =	vsel vm15, $0x1, v1  }
0x43: {  	s19 =	sor.u32 s20, s19;
	v2 =	vadd.s32 v2, v3  }
0x44: {  	s17 =	sadd.s32 $0x40, s17;
	s18 =	sadd.s32 $0x10, s18;
	[tilespmem:s19+$0x900] =	vst v2  }
0x45: {  	[tilespmem:s12], [sflag:$0x1] =	stream.indirect.gather [hbm4b:s4+s10], $0x80, s11, s10, $0xb8;
	[tilespmem:$0x8A00] =	vst v63  }
0x46: {  	_ = 	snop  }
0x47: {  	[tilespmem:s14], [sflag:$0x1] =	stream.indirect.gather [hbm4b:s4+s10], $0x80, s13, s10, $0xb8;
	[tilespmem:$0x8A00] =	vst v63  }
0x48: {  	_ =	swait.ge [sflag:s15], $0x4000  }
0x49: {  	[sflag:s15] =	ssyncset.done $0x0  }
0x4a: {  	[sflag:s15] =	ssyncadd.s32 $0xFFFFC000  }
0x4b: {  	s16 =	sadd.s32 $0x1, s16;
	_ =	swait.ge [sflag:s15], $0x4000  }
0x4c: {  	p0 =	sne.s32 s16, s7;
	[sflag:s15] =	ssyncset.done $0x0  }
.Ltmp1:
0x4d: {  	[sflag:s15] =	ssyncadd.s32 $0xFFFFC000;
	(pc) =	sbr.rel @p0 .LBB2_1-.Ltmp1, $4  }
0x4e: {  	[hbm4b:s6+s2] =	stream.linear.scatter [tilespmem:s12], [sflag:$0x2], $0x8000, $0x38;
	[tilespmem:$0x8A00] =	vst v63  }
0x4f: {  	_ =	swait.ge [sflag:s8], $0x8000  }
0x50: {  	[sflag:s8] =	ssyncset.done $0x0  }
0x51: {  	[sflag:s8] =	ssyncadd.s32 $0xFFFF8000  }
0x52: {  	_ =	sfence.sel $0x180000  }
0x53: {  	[bflag:$0x0] =	sbarrier.arrive $0xFFFF  }
0x54: {  	p0 =	sne.s32 s1, $0x0;
	_ =	strace $0x90000047  }
0x55: {  	s0 =	sadd.s32 @!p0 $0x100000, s0;
	[bflag:$0x2] =	sbarrier.arrive $0xFFFF  }
0x56: {  	[sflag:s0] =	ssyncadd.tile.s32 @!p0 $0x1;
	_ =	shalt  }
.Lfunc_end2:
_tile_overlayer_lowered:
.L_overlay_start_2:
0x57: {  	(tag) =	ssettag $0x2  }
0x58: {  	s0 =	rddreg [dreg:$0x0];
	s2 =	stileid.u32  }
0x59: {  	s1 =	rddreg [dreg:$0x1];
	p0 =	sne.s32 s2, $0x0  }
0x5a: {  	s3 =	rddreg [dreg:$0x2];
	[bflag:$0x3] =	sbarrier.arrive $0xFFFF;
	s2 =	simm.s32 @!p0 $0x1C02  }
0x5b: {  	[timem:s3], [sflag:s2] =	dma.local @!p0 [hbm:s0], s1  }
0x5c: {  	s0 =	simm.s32 @!p0 $0x2  }
0x5d: {  	_ =	swait.ge @!p0 [sflag:s0], s1  }
0x5e: {  	s1 =	ssub.s32 @!p0 $0x0, s1;
	[sflag:s0] =	ssyncset.done @!p0 $0x0  }
0x5f: {  	[sflag:s0] =	ssyncadd.s32 @!p0 s1  }
0x60: {  	[bflag:$0x3] =	sbarrier.arrive $0xFFFF  }
0x61: {  	_ =	shalt  }

</sc_bundles>
